<compile_context>
chip_gen: v7x
topology: tpu7x:2x2x1
jax: 0.10.2.dev20260603
libtpu: 0.0.44.dev20260713+nightly
codegen_flags: <defaults>
</compile_context>

<pallas_src>
import functools

import jax
import jax.numpy as jnp
from jax import lax
from jax.experimental import pallas as pl
from jax.experimental.pallas import tpu as pltpu
from jax.experimental.pallas import tpu_sc as plsc

B = 4096
L = 50
EMBED_DIM = 128
NUM_CORES = 2
NUM_SUBCORES = 16
NUM_WORKERS = NUM_CORES * NUM_SUBCORES
B_PER_W = B // NUM_WORKERS
HALF = B_PER_W // 2
WINDOW = 8
NV = EMBED_DIM // 16


def _sc_body(idx_hbm, table_hbm, out_hbm, idx_all, acc0, acc1,
             isem, sem0, sem1, osem):
    wid = lax.axis_index("s") * NUM_CORES + lax.axis_index("c")
    out_base = wid * B_PER_W

    idx_cp = pltpu.async_copy(
        idx_hbm.at[pl.ds(wid * (B_PER_W * L), B_PER_W * L)], idx_all, isem)

    def zero_body(r, carry):
        for d in range(NV):
            acc0[r, pl.ds(d * 16, 16)] = jnp.zeros((16,), jnp.float32)
            acc1[r, pl.ds(d * 16, 16)] = jnp.zeros((16,), jnp.float32)
        return carry

    lax.fori_loop(0, HALF, zero_body, 0)
    idx_cp.wait()

    halves = ((acc0, 0, sem0), (acc1, HALF, sem1))

    def issue(l, acc, off, sem):
        pltpu.async_copy(
            table_hbm.at[idx_all.at[pl.ds(l * B_PER_W + off, HALF)]],
            acc, sem, add=True)

    def wait_one(acc, sem):
        pltpu.make_async_copy(
            table_hbm.at[idx_all.at[pl.ds(0, HALF)]], acc, sem).wait()

    def fire_body(l, carry):
        for acc, off, sem in halves:
            issue(l, acc, off, sem)

            @pl.when(l >= WINDOW)
            def _():
                wait_one(acc, sem)
        return carry

    lax.fori_loop(0, L, fire_body, 0)

    def drain0_body(i, carry):
        wait_one(acc0, sem0)
        return carry

    lax.fori_loop(0, WINDOW, drain0_body, 0)
    out_cp = pltpu.async_copy(acc0, out_hbm.at[pl.ds(out_base, HALF)], osem)

    def drain1_body(i, carry):
        wait_one(acc1, sem1)
        return carry

    lax.fori_loop(0, WINDOW, drain1_body, 0)
    pltpu.sync_copy(acc1, out_hbm.at[pl.ds(out_base + HALF, HALF)])
    out_cp.wait()


@jax.jit
def kernel(indices, table):
    idx_t = (indices.astype(jnp.int32)
             .reshape(NUM_WORKERS, B_PER_W, L)
             .transpose(0, 2, 1)
             .reshape(-1))
    run = pl.kernel(
        _sc_body,
        out_type=jax.ShapeDtypeStruct((B, EMBED_DIM), jnp.float32),
        mesh=plsc.VectorSubcoreMesh(core_axis_name="c", subcore_axis_name="s"),
        scratch_types=[
            pltpu.VMEM((L * B_PER_W,), jnp.int32),
            pltpu.VMEM((HALF, EMBED_DIM), jnp.float32),
            pltpu.VMEM((HALF, EMBED_DIM), jnp.float32),
            pltpu.SemaphoreType.DMA,
            pltpu.SemaphoreType.DMA,
            pltpu.SemaphoreType.DMA,
            pltpu.SemaphoreType.DMA,
        ],
    )
    return run(idx_t, table)

# --- scband reference (transcript-rebuilt; emitter-appended) ---
"""Pipeline reference for scband-zenith-conceptual-encoder-67697274520147 (READ-ONLY COPY).

The authoritative reference and input builder live on the scoring server;
editing this copy changes nothing except your own understanding.
"""

import jax, jax.numpy as jnp
import numpy as np

B = 4096
L = 50
VOCAB = 100000
EMBED_DIM = 128

def setup_inputs(seed: int = 0) -> dict:
    key = jax.random.key(seed)
    k_idx, k_tab = jax.random.split(key)
    indices = jax.random.randint(k_idx, (B, L), 0, VOCAB, dtype=jnp.int64 if jax.config.jax_enable_x64 else jnp.int32)
    table = jax.random.normal(k_tab, (VOCAB, EMBED_DIM), dtype=jnp.float32)
    return {"indices": indices, "table": table}

def reference(indices, table):
    # Faithful translation of encode_conceptual_vector: for each example,
    # gather the embeddings of its concept/property ids and sum them into a
    # single dense conceptual vector (sum over the sequence of looked-up ids).
    emb = jnp.take(table, indices, axis=0)          # [B, L, D] gather
    out = jnp.sum(emb, axis=1)                       # [B, D] sum-pool, as in torch.sum(torch.stack(...), dim=0)
    return out

if __name__ == "__main__":
    import jax
    _d = setup_inputs()
    print(jax.jit(kernel)(*tuple(_d.values())))

</pallas_src>

<mosaic_0001>
#map = affine_map<(d0, d1) -> (0)>
#map1 = affine_map<(d0, d1) -> (0, 0)>
module attributes {stable_mosaic.version = 14 : i64} {
  func.func @_sc_body(%arg0: i32, %arg1: i32, %arg2: memref<204800xi32, #tpu.memory_space<hbm>>, %arg3: memref<100000x128xf32, #tpu.memory_space<hbm>>, %arg4: memref<4096x128xf32, #tpu.memory_space<hbm>>, %arg5: memref<6400xi32, #tpu.memory_space<vmem>>, %arg6: memref<64x128xf32, #tpu.memory_space<vmem>>, %arg7: memref<64x128xf32, #tpu.memory_space<vmem>>, %arg8: memref<!tpu.dma_semaphore, #tpu.memory_space<semaphore_mem>>, %arg9: memref<!tpu.dma_semaphore, #tpu.memory_space<semaphore_mem>>, %arg10: memref<!tpu.dma_semaphore, #tpu.memory_space<semaphore_mem>>, %arg11: memref<!tpu.dma_semaphore, #tpu.memory_space<semaphore_mem>>) attributes {dimension_semantics = [#tpu.dimension_semantics<core_parallel>, #tpu.dimension_semantics<subcore_parallel>], iteration_bounds = array<i64: 2, 16>, scalar_prefetch = 0 : i64, scratch_operands = 7 : i64, tpu.core_type = #tpu.core_type<sc_vector_subcore>, window_params = [{transform_indices = #map}, {transform_indices = #map1}, {transform_indices = #map1}]} {
    %mul3A = arith.constant 2 : i32
    %mul3A_0 = arith.muli %arg1, %mul3A : i32
    %add3A = arith.addi %mul3A_0, %arg0 : i32
    %mul3A_1 = arith.constant 128 : i32
    %mul3A_2 = arith.muli %add3A, %mul3A_1 : i32
    %mul3A_3 = arith.constant 6400 : i32
    %mul3A_4 = arith.muli %add3A, %mul3A_3 : i32
    %dma_start3A = tpu.memref_slice %arg2[%mul3A_4] : memref<204800xi32, #tpu.memory_space<hbm>> -> memref<6400xi32, #tpu.memory_space<hbm>>
    %dma_start3A_5 = tpu.memref_slice %arg2[%mul3A_4] : memref<204800xi32, #tpu.memory_space<hbm>> -> memref<6400xi32, #tpu.memory_space<hbm>>
    tpu.enqueue_dma source(%dma_start3A_5 : memref<6400xi32, #tpu.memory_space<hbm>>) target(%arg5 : memref<6400xi32, #tpu.memory_space<vmem>>) target_semaphore(%arg8 : memref<!tpu.dma_semaphore, #tpu.memory_space<semaphore_mem>>)
    %scan3A = arith.constant 0 : i32
    %scan3A_6 = arith.constant 0 : i32
    %scan3A_7 = arith.constant 64 : i32
    %scan3A_8 = arith.addi %scan3A_6, %scan3A_7 : i32
    %scan3A_9 = arith.constant 1 : i32
    scf.for %scan3A_40 = %scan3A_6 to %scan3A_8 step %scan3A_9  : i32 {
      %broadcast_in_dim3A = arith.constant 0.000000e+00 : f32
      %broadcast_in_dim3A_41 = vector.broadcast %broadcast_in_dim3A : f32 to vector<16xf32>
      %swap3A = arith.index_cast %scan3A_40 : i32 to index
      %swap3A_42 = arith.constant 0 : index
      %swap3A_43 = tpu.vector_load %arg6[%swap3A, %swap3A_42] {strides = array<i32>} : memref<64x128xf32, #tpu.memory_space<vmem>>, vector<1x16xf32>,
      %swap3A_44 = vector.shape_cast %swap3A_43 : vector<1x16xf32> to vector<16xf32>
      %swap3A_45 = vector.shape_cast %broadcast_in_dim3A_41 : vector<16xf32> to vector<1x16xf32>
      tpu.vector_store %arg6[%swap3A, %swap3A_42], %swap3A_45 {strides = array<i32>} : memref<64x128xf32, #tpu.memory_space<vmem>>, vector<1x16xf32>,
      %broadcast_in_dim3A_46 = arith.constant 0.000000e+00 : f32
      %broadcast_in_dim3A_47 = vector.broadcast %broadcast_in_dim3A_46 : f32 to vector<16xf32>
      %swap3A_48 = arith.index_cast %scan3A_40 : i32 to index
      %swap3A_49 = arith.constant 0 : index
      %swap3A_50 = tpu.vector_load %arg7[%swap3A_48, %swap3A_49] {strides = array<i32>} : memref<64x128xf32, #tpu.memory_space<vmem>>, vector<1x16xf32>,
      %swap3A_51 = vector.shape_cast %swap3A_50 : vector<1x16xf32> to vector<16xf32>
      %swap3A_52 = vector.shape_cast %broadcast_in_dim3A_47 : vector<16xf32> to vector<1x16xf32>
      tpu.vector_store %arg7[%swap3A_48, %swap3A_49], %swap3A_52 {strides = array<i32>} : memref<64x128xf32, #tpu.memory_space<vmem>>, vector<1x16xf32>,
      %broadcast_in_dim3A_53 = arith.constant 0.000000e+00 : f32
      %broadcast_in_dim3A_54 = vector.broadcast %broadcast_in_dim3A_53 : f32 to vector<16xf32>
      %swap3A_55 = arith.index_cast %scan3A_40 : i32 to index
      %swap3A_56 = arith.constant 16 : index
      %swap3A_57 = tpu.vector_load %arg6[%swap3A_55, %swap3A_56] {strides = array<i32>} : memref<64x128xf32, #tpu.memory_space<vmem>>, vector<1x16xf32>,
      %swap3A_58 = vector.shape_cast %swap3A_57 : vector<1x16xf32> to vector<16xf32>
      %swap3A_59 = vector.shape_cast %broadcast_in_dim3A_54 : vector<16xf32> to vector<1x16xf32>
      tpu.vector_store %arg6[%swap3A_55, %swap3A_56], %swap3A_59 {strides = array<i32>} : memref<64x128xf32, #tpu.memory_space<vmem>>, vector<1x16xf32>,
      %broadcast_in_dim3A_60 = arith.constant 0.000000e+00 : f32
      %broadcast_in_dim3A_61 = vector.broadcast %broadcast_in_dim3A_60 : f32 to vector<16xf32>
      %swap3A_62 = arith.index_cast %scan3A_40 : i32 to index
      %swap3A_63 = arith.constant 16 : index
      %swap3A_64 = tpu.vector_load %arg7[%swap3A_62, %swap3A_63] {strides = array<i32>} : memref<64x128xf32, #tpu.memory_space<vmem>>, vector<1x16xf32>,
      %swap3A_65 = vector.shape_cast %swap3A_64 : vector<1x16xf32> to vector<16xf32>
      %swap3A_66 = vector.shape_cast %broadcast_in_dim3A_61 : vector<16xf32> to vector<1x16xf32>
      tpu.vector_store %arg7[%swap3A_62, %swap3A_63], %swap3A_66 {strides = array<i32>} : memref<64x128xf32, #tpu.memory_space<vmem>>, vector<1x16xf32>,
      %broadcast_in_dim3A_67 = arith.constant 0.000000e+00 : f32
      %broadcast_in_dim3A_68 = vector.broadcast %broadcast_in_dim3A_67 : f32 to vector<16xf32>
      %swap3A_69 = arith.index_cast %scan3A_40 : i32 to index
      %swap3A_70 = arith.constant 32 : index
      %swap3A_71 = tpu.vector_load %arg6[%swap3A_69, %swap3A_70] {strides = array<i32>} : memref<64x128xf32, #tpu.memory_space<vmem>>, vector<1x16xf32>,
      %swap3A_72 = vector.shape_cast %swap3A_71 : vector<1x16xf32> to vector<16xf32>
      %swap3A_73 = vector.shape_cast %broadcast_in_dim3A_68 : vector<16xf32> to vector<1x16xf32>
      tpu.vector_store %arg6[%swap3A_69, %swap3A_70], %swap3A_73 {strides = array<i32>} : memref<64x128xf32, #tpu.memory_space<vmem>>, vector<1x16xf32>,
      %broadcast_in_dim3A_74 = arith.constant 0.000000e+00 : f32
      %broadcast_in_dim3A_75 = vector.broadcast %broadcast_in_dim3A_74 : f32 to vector<16xf32>
      %swap3A_76 = arith.index_cast %scan3A_40 : i32 to index
      %swap3A_77 = arith.constant 32 : index
      %swap3A_78 = tpu.vector_load %arg7[%swap3A_76, %swap3A_77] {strides = array<i32>} : memref<64x128xf32, #tpu.memory_space<vmem>>, vector<1x16xf32>,
      %swap3A_79 = vector.shape_cast %swap3A_78 : vector<1x16xf32> to vector<16xf32>
      %swap3A_80 = vector.shape_cast %broadcast_in_dim3A_75 : vector<16xf32> to vector<1x16xf32>
      tpu.vector_store %arg7[%swap3A_76, %swap3A_77], %swap3A_80 {strides = array<i32>} : memref<64x128xf32, #tpu.memory_space<vmem>>, vector<1x16xf32>,
      %broadcast_in_dim3A_81 = arith.constant 0.000000e+00 : f32
      %broadcast_in_dim3A_82 = vector.broadcast %broadcast_in_dim3A_81 : f32 to vector<16xf32>
      %swap3A_83 = arith.index_cast %scan3A_40 : i32 to index
      %swap3A_84 = arith.constant 48 : index
      %swap3A_85 = tpu.vector_load %arg6[%swap3A_83, %swap3A_84] {strides = array<i32>} : memref<64x128xf32, #tpu.memory_space<vmem>>, vector<1x16xf32>,
      %swap3A_86 = vector.shape_cast %swap3A_85 : vector<1x16xf32> to vector<16xf32>
      %swap3A_87 = vector.shape_cast %broadcast_in_dim3A_82 : vector<16xf32> to vector<1x16xf32>
      tpu.vector_store %arg6[%swap3A_83, %swap3A_84], %swap3A_87 {strides = array<i32>} : memref<64x128xf32, #tpu.memory_space<vmem>>, vector<1x16xf32>,
      %broadcast_in_dim3A_88 = arith.constant 0.000000e+00 : f32
      %broadcast_in_dim3A_89 = vector.broadcast %broadcast_in_dim3A_88 : f32 to vector<16xf32>
      %swap3A_90 = arith.index_cast %scan3A_40 : i32 to index
      %swap3A_91 = arith.constant 48 : index
      %swap3A_92 = tpu.vector_load %arg7[%swap3A_90, %swap3A_91] {strides = array<i32>} : memref<64x128xf32, #tpu.memory_space<vmem>>, vector<1x16xf32>,
      %swap3A_93 = vector.shape_cast %swap3A_92 : vector<1x16xf32> to vector<16xf32>
      %swap3A_94 = vector.shape_cast %broadcast_in_dim3A_89 : vector<16xf32> to vector<1x16xf32>
      tpu.vector_store %arg7[%swap3A_90, %swap3A_91], %swap3A_94 {strides = array<i32>} : memref<64x128xf32, #tpu.memory_space<vmem>>, vector<1x16xf32>,
      %broadcast_in_dim3A_95 = arith.constant 0.000000e+00 : f32
      %broadcast_in_dim3A_96 = vector.broadcast %broadcast_in_dim3A_95 : f32 to vector<16xf32>
      %swap3A_97 = arith.index_cast %scan3A_40 : i32 to index
      %swap3A_98 = arith.constant 64 : index
      %swap3A_99 = tpu.vector_load %arg6[%swap3A_97, %swap3A_98] {strides = array<i32>} : memref<64x128xf32, #tpu.memory_space<vmem>>, vector<1x16xf32>,
      %swap3A_100 = vector.shape_cast %swap3A_99 : vector<1x16xf32> to vector<16xf32>
      %swap3A_101 = vector.shape_cast %broadcast_in_dim3A_96 : vector<16xf32> to vector<1x16xf32>
      tpu.vector_store %arg6[%swap3A_97, %swap3A_98], %swap3A_101 {strides = array<i32>} : memref<64x128xf32, #tpu.memory_space<vmem>>, vector<1x16xf32>,
      %broadcast_in_dim3A_102 = arith.constant 0.000000e+00 : f32
      %broadcast_in_dim3A_103 = vector.broadcast %broadcast_in_dim3A_102 : f32 to vector<16xf32>
      %swap3A_104 = arith.index_cast %scan3A_40 : i32 to index
      %swap3A_105 = arith.constant 64 : index
      %swap3A_106 = tpu.vector_load %arg7[%swap3A_104, %swap3A_105] {strides = array<i32>} : memref<64x128xf32, #tpu.memory_space<vmem>>, vector<1x16xf32>,
      %swap3A_107 = vector.shape_cast %swap3A_106 : vector<1x16xf32> to vector<16xf32>
      %swap3A_108 = vector.shape_cast %broadcast_in_dim3A_103 : vector<16xf32> to vector<1x16xf32>
      tpu.vector_store %arg7[%swap3A_104, %swap3A_105], %swap3A_108 {strides = array<i32>} : memref<64x128xf32, #tpu.memory_space<vmem>>, vector<1x16xf32>,
      %broadcast_in_dim3A_109 = arith.constant 0.000000e+00 : f32
      %broadcast_in_dim3A_110 = vector.broadcast %broadcast_in_dim3A_109 : f32 to vector<16xf32>
      %swap3A_111 = arith.index_cast %scan3A_40 : i32 to index
      %swap3A_112 = arith.constant 80 : index
      %swap3A_113 = tpu.vector_load %arg6[%swap3A_111, %swap3A_112] {strides = array<i32>} : memref<64x128xf32, #tpu.memory_space<vmem>>, vector<1x16xf32>,
      %swap3A_114 = vector.shape_cast %swap3A_113 : vector<1x16xf32> to vector<16xf32>
      %swap3A_115 = vector.shape_cast %broadcast_in_dim3A_110 : vector<16xf32> to vector<1x16xf32>
      tpu.vector_store %arg6[%swap3A_111, %swap3A_112], %swap3A_115 {strides = array<i32>} : memref<64x128xf32, #tpu.memory_space<vmem>>, vector<1x16xf32>,
      %broadcast_in_dim3A_116 = arith.constant 0.000000e+00 : f32
      %broadcast_in_dim3A_117 = vector.broadcast %broadcast_in_dim3A_116 : f32 to vector<16xf32>
      %swap3A_118 = arith.index_cast %scan3A_40 : i32 to index
      %swap3A_119 = arith.constant 80 : index
      %swap3A_120 = tpu.vector_load %arg7[%swap3A_118, %swap3A_119] {strides = array<i32>} : memref<64x128xf32, #tpu.memory_space<vmem>>, vector<1x16xf32>,
      %swap3A_121 = vector.shape_cast %swap3A_120 : vector<1x16xf32> to vector<16xf32>
      %swap3A_122 = vector.shape_cast %broadcast_in_dim3A_117 : vector<16xf32> to vector<1x16xf32>
      tpu.vector_store %arg7[%swap3A_118, %swap3A_119], %swap3A_122 {strides = array<i32>} : memref<64x128xf32, #tpu.memory_space<vmem>>, vector<1x16xf32>,
      %broadcast_in_dim3A_123 = arith.constant 0.000000e+00 : f32
      %broadcast_in_dim3A_124 = vector.broadcast %broadcast_in_dim3A_123 : f32 to vector<16xf32>
      %swap3A_125 = arith.index_cast %scan3A_40 : i32 to index
      %swap3A_126 = arith.constant 96 : index
      %swap3A_127 = tpu.vector_load %arg6[%swap3A_125, %swap3A_126] {strides = array<i32>} : memref<64x128xf32, #tpu.memory_space<vmem>>, vector<1x16xf32>,
      %swap3A_128 = vector.shape_cast %swap3A_127 : vector<1x16xf32> to vector<16xf32>
      %swap3A_129 = vector.shape_cast %broadcast_in_dim3A_124 : vector<16xf32> to vector<1x16xf32>
      tpu.vector_store %arg6[%swap3A_125, %swap3A_126], %swap3A_129 {strides = array<i32>} : memref<64x128xf32, #tpu.memory_space<vmem>>, vector<1x16xf32>,
      %broadcast_in_dim3A_130 = arith.constant 0.000000e+00 : f32
      %broadcast_in_dim3A_131 = vector.broadcast %broadcast_in_dim3A_130 : f32 to vector<16xf32>
      %swap3A_132 = arith.index_cast %scan3A_40 : i32 to index
      %swap3A_133 = arith.constant 96 : index
      %swap3A_134 = tpu.vector_load %arg7[%swap3A_132, %swap3A_133] {strides = array<i32>} : memref<64x128xf32, #tpu.memory_space<vmem>>, vector<1x16xf32>,
      %swap3A_135 = vector.shape_cast %swap3A_134 : vector<1x16xf32> to vector<16xf32>
      %swap3A_136 = vector.shape_cast %broadcast_in_dim3A_131 : vector<16xf32> to vector<1x16xf32>
      tpu.vector_store %arg7[%swap3A_132, %swap3A_133], %swap3A_136 {strides = array<i32>} : memref<64x128xf32, #tpu.memory_space<vmem>>, vector<1x16xf32>,
      %broadcast_in_dim3A_137 = arith.constant 0.000000e+00 : f32
      %broadcast_in_dim3A_138 = vector.broadcast %broadcast_in_dim3A_137 : f32 to vector<16xf32>
      %swap3A_139 = arith.index_cast %scan3A_40 : i32 to index
      %swap3A_140 = arith.constant 112 : index
      %swap3A_141 = tpu.vector_load %arg6[%swap3A_139, %swap3A_140] {strides = array<i32>} : memref<64x128xf32, #tpu.memory_space<vmem>>, vector<1x16xf32>,
      %swap3A_142 = vector.shape_cast %swap3A_141 : vector<1x16xf32> to vector<16xf32>
      %swap3A_143 = vector.shape_cast %broadcast_in_dim3A_138 : vector<16xf32> to vector<1x16xf32>
      tpu.vector_store %arg6[%swap3A_139, %swap3A_140], %swap3A_143 {strides = array<i32>} : memref<64x128xf32, #tpu.memory_space<vmem>>, vector<1x16xf32>,
      %broadcast_in_dim3A_144 = arith.constant 0.000000e+00 : f32
      %broadcast_in_dim3A_145 = vector.broadcast %broadcast_in_dim3A_144 : f32 to vector<16xf32>
      %swap3A_146 = arith.index_cast %scan3A_40 : i32 to index
      %swap3A_147 = arith.constant 112 : index
      %swap3A_148 = tpu.vector_load %arg7[%swap3A_146, %swap3A_147] {strides = array<i32>} : memref<64x128xf32, #tpu.memory_space<vmem>>, vector<1x16xf32>,
      %swap3A_149 = vector.shape_cast %swap3A_148 : vector<1x16xf32> to vector<16xf32>
      %swap3A_150 = vector.shape_cast %broadcast_in_dim3A_145 : vector<16xf32> to vector<1x16xf32>
      tpu.vector_store %arg7[%swap3A_146, %swap3A_147], %swap3A_150 {strides = array<i32>} : memref<64x128xf32, #tpu.memory_space<vmem>>, vector<1x16xf32>,
    }
    %scan3A_10 = arith.constant 64 : i32
    %dma_wait3A = tpu.memref_slice %arg2[%mul3A_4] : memref<204800xi32, #tpu.memory_space<hbm>> -> memref<6400xi32, #tpu.memory_space<hbm>>
    %dma_wait3A_11 = tpu.memref_slice %arg2[%mul3A_4] : memref<204800xi32, #tpu.memory_space<hbm>> -> memref<6400xi32, #tpu.memory_space<hbm>>
    tpu.wait_dma2 semaphore(%arg8 : memref<!tpu.dma_semaphore, #tpu.memory_space<semaphore_mem>>) src(%dma_wait3A_11 : memref<6400xi32, #tpu.memory_space<hbm>>) dst(%arg5 : memref<6400xi32, #tpu.memory_space<vmem>>)
    %scan3A_12 = arith.constant 0 : i32
    %scan3A_13 = arith.constant 0 : i32
    %scan3A_14 = arith.constant 50 : i32
    %scan3A_15 = arith.addi %scan3A_13, %scan3A_14 : i32
    %scan3A_16 = arith.constant 1 : i32
    scf.for %scan3A_40 = %scan3A_13 to %scan3A_15 step %scan3A_16  : i32 {
      %mul3A_41 = arith.constant 128 : i32
      %mul3A_42 = arith.muli %scan3A_40, %mul3A_41 : i32
      %add3A_43 = arith.constant 0 : i32
      %add3A_44 = arith.addi %mul3A_42, %add3A_43 : i32
      %dma_start3A_45 = tpu.memref_slice %arg5[%add3A_44] : memref<6400xi32, #tpu.memory_space<vmem>> -> memref<64xi32, #tpu.memory_space<vmem>>
      %dma_start3A_46 = arith.constant 0 : i32
      %dma_start3A_47 = arith.constant 0 : i32
      %dma_start3A_48 = tpu.memref_slice %arg3[%dma_start3A_46, %dma_start3A_47] : memref<100000x128xf32, #tpu.memory_space<hbm>> -> memref<100000x128xf32, #tpu.memory_space<hbm>>
      tpu.enqueue_indirect_dma source(%dma_start3A_48 : memref<100000x128xf32, #tpu.memory_space<hbm>>) target(%arg6 : memref<64x128xf32, #tpu.memory_space<vmem>>) offsets(%dma_start3A_45 : memref<64xi32, #tpu.memory_space<vmem>>) semaphore(%arg9 : memref<!tpu.dma_semaphore, #tpu.memory_space<semaphore_mem>>) {add = true}
      %ge3A = arith.constant 8 : i32
      %ge3A_49 = arith.cmpi sge, %scan3A_40, %ge3A : i32
      %convert_element_type3A = arith.extui %ge3A_49 : i1 to i32
      %cond3A = arith.constant 0 : i32
      %cond3A_50 = arith.cmpi ne, %convert_element_type3A, %cond3A : i32
      scf.if %cond3A_50 {
        %dma_wait3A_64 = arith.constant 0 : i32
        %dma_wait3A_65 = tpu.memref_slice %arg5[%dma_wait3A_64] : memref<6400xi32, #tpu.memory_space<vmem>> -> memref<64xi32, #tpu.memory_space<vmem>>
        %dma_wait3A_66 = arith.constant 0 : i32
        %dma_wait3A_67 = arith.constant 0 : i32
        %dma_wait3A_68 = tpu.memref_slice %arg3[%dma_wait3A_66, %dma_wait3A_67] : memref<100000x128xf32, #tpu.memory_space<hbm>> -> memref<100000x128xf32, #tpu.memory_space<hbm>>
        tpu.wait_indirect_dma semaphore(%arg9 : memref<!tpu.dma_semaphore, #tpu.memory_space<semaphore_mem>>) src(%dma_wait3A_68 : memref<100000x128xf32, #tpu.memory_space<hbm>>) dst(%arg6 : memref<64x128xf32, #tpu.memory_space<vmem>>)
      } else {
      }
      %mul3A_51 = arith.constant 128 : i32
      %mul3A_52 = arith.muli %scan3A_40, %mul3A_51 : i32
      %add3A_53 = arith.constant 64 : i32
      %add3A_54 = arith.addi %mul3A_52, %add3A_53 : i32
      %dma_start3A_55 = tpu.memref_slice %arg5[%add3A_54] : memref<6400xi32, #tpu.memory_space<vmem>> -> memref<64xi32, #tpu.memory_space<vmem>>
      %dma_start3A_56 = arith.constant 0 : i32
      %dma_start3A_57 = arith.constant 0 : i32
      %dma_start3A_58 = tpu.memref_slice %arg3[%dma_start3A_56, %dma_start3A_57] : memref<100000x128xf32, #tpu.memory_space<hbm>> -> memref<100000x128xf32, #tpu.memory_space<hbm>>
      tpu.enqueue_indirect_dma source(%dma_start3A_58 : memref<100000x128xf32, #tpu.memory_space<hbm>>) target(%arg7 : memref<64x128xf32, #tpu.memory_space<vmem>>) offsets(%dma_start3A_55 : memref<64xi32, #tpu.memory_space<vmem>>) semaphore(%arg10 : memref<!tpu.dma_semaphore, #tpu.memory_space<semaphore_mem>>) {add = true}
      %ge3A_59 = arith.constant 8 : i32
      %ge3A_60 = arith.cmpi sge, %scan3A_40, %ge3A_59 : i32
      %convert_element_type3A_61 = arith.extui %ge3A_60 : i1 to i32
      %cond3A_62 = arith.constant 0 : i32
      %cond3A_63 = arith.cmpi ne, %convert_element_type3A_61, %cond3A_62 : i32
      scf.if %cond3A_63 {
        %dma_wait3A_64 = arith.constant 0 : i32
        %dma_wait3A_65 = tpu.memref_slice %arg5[%dma_wait3A_64] : memref<6400xi32, #tpu.memory_space<vmem>> -> memref<64xi32, #tpu.memory_space<vmem>>
        %dma_wait3A_66 = arith.constant 0 : i32
        %dma_wait3A_67 = arith.constant 0 : i32
        %dma_wait3A_68 = tpu.memref_slice %arg3[%dma_wait3A_66, %dma_wait3A_67] : memref<100000x128xf32, #tpu.memory_space<hbm>> -> memref<100000x128xf32, #tpu.memory_space<hbm>>
        tpu.wait_indirect_dma semaphore(%arg10 : memref<!tpu.dma_semaphore, #tpu.memory_space<semaphore_mem>>) src(%dma_wait3A_68 : memref<100000x128xf32, #tpu.memory_space<hbm>>) dst(%arg7 : memref<64x128xf32, #tpu.memory_space<vmem>>)
      } else {
      }
    }
    %scan3A_17 = arith.constant 50 : i32
    %scan3A_18 = arith.constant 0 : i32
    %scan3A_19 = arith.constant 0 : i32
    %scan3A_20 = arith.constant 8 : i32
    %scan3A_21 = arith.addi %scan3A_19, %scan3A_20 : i32
    %scan3A_22 = arith.constant 1 : i32
    scf.for %scan3A_40 = %scan3A_19 to %scan3A_21 step %scan3A_22  : i32 {
      %dma_wait3A_41 = arith.constant 0 : i32
      %dma_wait3A_42 = tpu.memref_slice %arg5[%dma_wait3A_41] : memref<6400xi32, #tpu.memory_space<vmem>> -> memref<64xi32, #tpu.memory_space<vmem>>
      %dma_wait3A_43 = arith.constant 0 : i32
      %dma_wait3A_44 = arith.constant 0 : i32
      %dma_wait3A_45 = tpu.memref_slice %arg3[%dma_wait3A_43, %dma_wait3A_44] : memref<100000x128xf32, #tpu.memory_space<hbm>> -> memref<100000x128xf32, #tpu.memory_space<hbm>>
      tpu.wait_indirect_dma semaphore(%arg9 : memref<!tpu.dma_semaphore, #tpu.memory_space<semaphore_mem>>) src(%dma_wait3A_45 : memref<100000x128xf32, #tpu.memory_space<hbm>>) dst(%arg6 : memref<64x128xf32, #tpu.memory_space<vmem>>)
    }
    %scan3A_23 = arith.constant 8 : i32
    %dma_start3A_24 = arith.constant 0 : i32
    %dma_start3A_25 = tpu.memref_slice %arg4[%mul3A_2, %dma_start3A_24] : memref<4096x128xf32, #tpu.memory_space<hbm>> -> memref<64x128xf32, #tpu.memory_space<hbm>>
    %dma_start3A_26 = arith.constant 0 : i32
    %dma_start3A_27 = tpu.memref_slice %arg4[%mul3A_2, %dma_start3A_26] : memref<4096x128xf32, #tpu.memory_space<hbm>> -> memref<64x128xf32, #tpu.memory_space<hbm>>
    tpu.enqueue_dma source(%arg6 : memref<64x128xf32, #tpu.memory_space<vmem>>) target(%dma_start3A_27 : memref<64x128xf32, #tpu.memory_space<hbm>>) target_semaphore(%arg11 : memref<!tpu.dma_semaphore, #tpu.memory_space<semaphore_mem>>)
    %scan3A_28 = arith.constant 0 : i32
    %scan3A_29 = arith.constant 0 : i32
    %scan3A_30 = arith.constant 8 : i32
    %scan3A_31 = arith.addi %scan3A_29, %scan3A_30 : i32
    %scan3A_32 = arith.constant 1 : i32
    scf.for %scan3A_40 = %scan3A_29 to %scan3A_31 step %scan3A_32  : i32 {
      %dma_wait3A_41 = arith.constant 0 : i32
      %dma_wait3A_42 = tpu.memref_slice %arg5[%dma_wait3A_41] : memref<6400xi32, #tpu.memory_space<vmem>> -> memref<64xi32, #tpu.memory_space<vmem>>
      %dma_wait3A_43 = arith.constant 0 : i32
      %dma_wait3A_44 = arith.constant 0 : i32
      %dma_wait3A_45 = tpu.memref_slice %arg3[%dma_wait3A_43, %dma_wait3A_44] : memref<100000x128xf32, #tpu.memory_space<hbm>> -> memref<100000x128xf32, #tpu.memory_space<hbm>>
      tpu.wait_indirect_dma semaphore(%arg10 : memref<!tpu.dma_semaphore, #tpu.memory_space<semaphore_mem>>) src(%dma_wait3A_45 : memref<100000x128xf32, #tpu.memory_space<hbm>>) dst(%arg7 : memref<64x128xf32, #tpu.memory_space<vmem>>)
    }
    %scan3A_33 = arith.constant 8 : i32
    %add3A_34 = arith.constant 64 : i32
    %add3A_35 = arith.addi %mul3A_2, %add3A_34 : i32
    "tpu.region"() ({
      %run_scoped3A = tpu.sem_alloc : memref<!tpu.dma_semaphore, #tpu.memory_space<semaphore_mem>>
      %dma_start3A_40 = arith.constant 0 : i32
      %dma_start3A_41 = tpu.memref_slice %arg4[%add3A_35, %dma_start3A_40] : memref<4096x128xf32, #tpu.memory_space<hbm>> -> memref<64x128xf32, #tpu.memory_space<hbm>>
      %dma_start3A_42 = arith.constant 0 : i32
      %dma_start3A_43 = tpu.memref_slice %arg4[%add3A_35, %dma_start3A_42] : memref<4096x128xf32, #tpu.memory_space<hbm>> -> memref<64x128xf32, #tpu.memory_space<hbm>>
      tpu.enqueue_dma source(%arg7 : memref<64x128xf32, #tpu.memory_space<vmem>>) target(%dma_start3A_43 : memref<64x128xf32, #tpu.memory_space<hbm>>) target_semaphore(%run_scoped3A : memref<!tpu.dma_semaphore, #tpu.memory_space<semaphore_mem>>)
      %dma_wait3A_44 = arith.constant 0 : i32
      %dma_wait3A_45 = tpu.memref_slice %arg4[%add3A_35, %dma_wait3A_44] : memref<4096x128xf32, #tpu.memory_space<hbm>> -> memref<64x128xf32, #tpu.memory_space<hbm>>
      %dma_wait3A_46 = arith.constant 0 : i32
      %dma_wait3A_47 = tpu.memref_slice %arg4[%add3A_35, %dma_wait3A_46] : memref<4096x128xf32, #tpu.memory_space<hbm>> -> memref<64x128xf32, #tpu.memory_space<hbm>>
      tpu.wait_dma2 semaphore(%run_scoped3A : memref<!tpu.dma_semaphore, #tpu.memory_space<semaphore_mem>>) src(%arg7 : memref<64x128xf32, #tpu.memory_space<vmem>>) dst(%dma_wait3A_47 : memref<64x128xf32, #tpu.memory_space<hbm>>)
      tpu.yield
    }) : () -> ()
    %dma_wait3A_36 = arith.constant 0 : i32
    %dma_wait3A_37 = tpu.memref_slice %arg4[%mul3A_2, %dma_wait3A_36] : memref<4096x128xf32, #tpu.memory_space<hbm>> -> memref<64x128xf32, #tpu.memory_space<hbm>>
    %dma_wait3A_38 = arith.constant 0 : i32
    %dma_wait3A_39 = tpu.memref_slice %arg4[%mul3A_2, %dma_wait3A_38] : memref<4096x128xf32, #tpu.memory_space<hbm>> -> memref<64x128xf32, #tpu.memory_space<hbm>>
    tpu.wait_dma2 semaphore(%arg11 : memref<!tpu.dma_semaphore, #tpu.memory_space<semaphore_mem>>) src(%arg6 : memref<64x128xf32, #tpu.memory_space<vmem>>) dst(%dma_wait3A_39 : memref<64x128xf32, #tpu.memory_space<hbm>>)
    return
  }
}

</mosaic_0001>

<sc_bundles>
// kernel: kernel.3.cloned.1.call-start
scs
__scs_entry_jumppad:
0x0: {  	(pc) =	sbr.rel $0x88, $3  }
0x1: {  	(tag) =	ssettag $0x0;
	lr =	simm.s32 $0x1  }
0x2: {  	[smem:$0x3F9F] =	sst lr;
	_ =	strace $0xD0000000  }
0x3: {  	_ = 	snop  }
0x4: {  	_ = 	snop  }
0x5: {  	_ = 	snop  }
0x6: {  	_ = 	snop  }
0x7: {  	_ = 	snop  }
__scs_overlays_trampoline_lowered:
0x8: {  	[smem:$0x3FAE] =	sst s0  }
0x9: {  	[smem:$0x3FAF] =	sst s1  }
0xa: {  	[smem:$0x3FB0] =	sst s2  }
0xb: {  	[smem:$0x3FB1] =	sst s3  }
0xc: {  	[smem:$0x3FB2] =	sst s4  }
0xd: {  	[smem:$0x3FB3] =	sst s5  }
0xe: {  	[smem:$0x3FB4] =	sst s6  }
0xf: {  	[smem:$0x3FB5] =	sst s7  }
0x10: {  	[smem:$0x3FB6] =	sst s8  }
0x11: {  	[smem:$0x3FB7] =	sst s9;
	s0 =	simm.s32 @!p0 $0x0  }
0x12: {  	s1 =	sld [smem:$0x3F9D];
	s0 =	simm.s32 @p0 $0x1  }
0x13: {  	[smem:$0x3FB8] =	sst s0;
	s0 =	simm.s32 @!p1 $0x0  }
0x14: {  	s2 =	sld [smem:$0x3F9C];
	s0 =	simm.s32 @p1 $0x1  }
0x15: {  	[smem:$0x3FB9] =	sst s0;
	s0 =	simm.s32 @!p2 $0x0  }
0x16: {  	s3 =	sld [smem:$0x3FDB];
	s0 =	simm.s32 @p2 $0x1  }
0x17: {  	s4 =	simm.s32 $0x1BF5;
	[smem:$0x3FBB] =	sst s0  }
0x18: {  	s0 =	sld [smem:$0x3F9E];
	_ =	swait.ge [sflag:s4], $0x0  }
0x19: {  	s7 =	sld [smem:$0x3F9F]  }
0x1a: {  	s8 =	sadd.s32 $0xFFFFE003, lr  }
0x1b: {  	s9 =	sadd.s32 $0xFFFFFEF7, lr;
	s5 =	simm.s32 $0xFFFFFFFF;
	p2 =	slt.u32 s8, $0xFFFFF086  }
0x1c: {  	p1 =	slt.u32 s9, $0xF7A;
	s5 =	simm.s32 @!p2 $0x0  }
0x1d: {  	s5 =	simm.s32 @p1 $0x1;
	p0 =	seq.s32 s7, s2  }
0x1e: {  	s7 =	smul.u32 @!p0 $0xF7A, s2;
	p2 =	seq.s32 @!p0 s5, $0x0  }
0x1f: {  	s9 =	smul.u32 $0xF7A, s1;
	s8 =	simm.s32 @!p0 $0x1BF5;
	p2 =	por !p2, p0  }
0x20: {  	[sflag:s8] =	ssyncset.s32 @!p0 $0xFFFFF086;
	s6 =	sadd.s32 @!p0 s3, s7;
	s7 =	simm.s32 @!p0 $0x108  }
0x21: {  	s3 =	sadd.s32 s3, s9;
	s6 =	sadd.s32 @!p0 $0x88, s6;
	s7 =	simm.s32 @p2 $0x1082  }
0x22: {  	[simem:s7], [sflag:s8] =	dma.local @!p0 [hbm:s6], $0xF7A  }
0x23: {  	s9 =	sor.u32 $0xD0000000, s2;
	s6 =	simm.s32 $0x108;
	_ =	swait.ge @!p0 [sflag:s8], $0x0  }
0x24: {  	s3 =	sadd.s32 $0x88, s3;
	s6 =	simm.s32 @!p1 $0x1082;
	[sflag:s4] =	ssyncset.s32 $0xFFFFF086  }
0x25: {  	[simem:s6], [sflag:s4] =	dma.local [hbm:s3], $0xF7A  }
0x26: {  	[smem:$0x3F9F] =	sst s1;
	(tag) =	ssettag s2;
	_ =	strace s9  }
0x27: {  	s1 =	sld [smem:$0x3FAF]  }
0x28: {  	s2 =	sld [smem:$0x3FB0]  }
0x29: {  	s4 =	sld [smem:$0x3FB2]  }
0x2a: {  	p0 =	seq.s32 s5, $0x0;
	s5 =	sld [smem:$0x3FB3]  }
0x2b: {  	s6 =	sld [smem:$0x3FB4]  }
0x2c: {  	s7 =	sld [smem:$0x3FB5]  }
0x2d: {  	s3 =	simm.s32 $0x108;
	s8 =	sld [smem:$0x3FB6]  }
0x2e: {  	s3 =	simm.s32 @!p0 $0x1082;
	s9 =	sld [smem:$0x3FB7]  }
0x2f: {  	lr =	sadd.s32 s0, s3;
	s0 =	sld [smem:$0x3FAE]  }
0x30: {  	s3 =	sld [smem:$0x3FB1]  }
0x31: {  	[smem:$0x3FBA] =	sst s10  }
0x32: {  	s10 =	sld [smem:$0x3FB8];
	_ =	sdelay $0x3  }
0x33: {  	p0 =	seq.s32 s10, $0x1;
	s10 =	sld [smem:$0x3FBA];
	_ =	sdelay $0x3  }
0x34: {  	[smem:$0x3FBA] =	sst s10  }
0x35: {  	s10 =	sld [smem:$0x3FB9];
	_ =	sdelay $0x3  }
0x36: {  	p1 =	seq.s32 s10, $0x1;
	s10 =	sld [smem:$0x3FBA];
	_ =	sdelay $0x3  }
0x37: {  	[smem:$0x3FBA] =	sst s10  }
0x38: {  	s10 =	sld [smem:$0x3FBB]  }
0x39: {  	_ = 	snop;
	(pc) =	sbr.ind lr, $3  }
0x3a: {  	_ = 	snop  }
0x3b: {  	_ = 	snop  }
0x3c: {  	p2 =	seq.s32 s10, $0x1;
	s10 =	sld [smem:$0x3FBA]  }
0x3d: {  	_ =	shalt  }
0x3e: {  	_ =	shalt  }
0x3f: {  	_ =	shalt  }
0x40: {  	_ =	shalt  }
0x41: {  	_ =	shalt  }
0x42: {  	_ =	shalt  }
0x43: {  	_ =	shalt  }
0x44: {  	_ =	shalt  }
0x45: {  	_ =	shalt  }
0x46: {  	_ =	shalt  }
0x47: {  	_ =	shalt  }
0x48: {  	_ =	shalt  }
0x49: {  	_ =	shalt  }
0x4a: {  	_ =	shalt  }
0x4b: {  	_ =	shalt  }
0x4c: {  	_ =	shalt  }
0x4d: {  	_ =	shalt  }
0x4e: {  	_ =	shalt  }
0x4f: {  	_ =	shalt  }
0x50: {  	_ =	shalt  }
0x51: {  	_ =	shalt  }
0x52: {  	_ =	shalt  }
0x53: {  	_ =	shalt  }
0x54: {  	_ =	shalt  }
0x55: {  	_ =	shalt  }
0x56: {  	_ =	shalt  }
0x57: {  	_ =	shalt  }
0x58: {  	_ =	shalt  }
0x59: {  	_ =	shalt  }
0x5a: {  	_ =	shalt  }
0x5b: {  	_ =	shalt  }
0x5c: {  	_ =	shalt  }
0x5d: {  	_ =	shalt  }
0x5e: {  	_ =	shalt  }
0x5f: {  	_ =	shalt  }
0x60: {  	_ =	shalt  }
0x61: {  	_ =	shalt  }
0x62: {  	_ =	shalt  }
0x63: {  	_ =	shalt  }
0x64: {  	_ =	shalt  }
0x65: {  	_ =	shalt  }
0x66: {  	_ =	shalt  }
0x67: {  	_ =	shalt  }
0x68: {  	_ =	shalt  }
0x69: {  	_ =	shalt  }
0x6a: {  	_ =	shalt  }
0x6b: {  	_ =	shalt  }
0x6c: {  	_ =	shalt  }
0x6d: {  	_ =	shalt  }
0x6e: {  	_ =	shalt  }
0x6f: {  	_ =	shalt  }
0x70: {  	_ =	shalt  }
0x71: {  	_ =	shalt  }
0x72: {  	_ =	shalt  }
0x73: {  	_ =	shalt  }
0x74: {  	_ =	shalt  }
0x75: {  	_ =	shalt  }
0x76: {  	_ =	shalt  }
0x77: {  	_ =	shalt  }
0x78: {  	_ =	shalt  }
0x79: {  	_ =	shalt  }
0x7a: {  	_ =	shalt  }
0x7b: {  	_ =	shalt  }
0x7c: {  	_ =	shalt  }
0x7d: {  	_ =	shalt  }
0x7e: {  	_ =	shalt  }
0x7f: {  	_ =	shalt  }
0x80: {  	_ =	shalt  }
0x81: {  	_ =	shalt  }
0x82: {  	_ =	shalt  }
0x83: {  	_ =	shalt  }
0x84: {  	_ =	shalt  }
0x85: {  	_ =	shalt  }
0x86: {  	_ =	shalt  }
0x87: {  	_ =	shalt  }
.Lfunc_end0:
.L_simem_size_0:
called_computation_lowered:
.L_overlay_start_0:
0x88: {  	s2 =	sld [smem:$0x3FD9]  }
0x89: {  	s3 =	sld [smem:$0x3FFE];
	_ =	sdelay $0x1  }
0x8a: {  	s1 =	srdreg.scid  }
0x8b: {  	s0 =	sand.u32 $0x1, s1  }
0x8c: {  	s17 =	sshll.u32 s0, $0xA;
	s2 =	sadd.s32 s3, s2  }
0x8d: {  	s2 =	sadd.s32 s2, s17  }
0x8e: {  	[smem:$0x3FC6] =	sst s2  }
0x8f: {  	_ = 	snop  }
0x90: {  	s2 =	sld [smem:$0x3FC8]  }
0x91: {  	s18 =	sld [smem:$0x3FD0];
	(tm) =	ssettm $0x1  }
0x92: {  	s4 =	sld [smem:$0x3FFB];
	_ =	sdelay $0x3  }
0x93: {  	_ =	strace s4  }
0x94: {  	s4 =	sld [smem:$0x3FFC];
	_ =	sdelay $0x3  }
0x95: {  	_ =	strace s4  }
0x96: {  	s4 =	sld [smem:$0x3FFD];
	_ =	sdelay $0x3  }
0x97: {  	_ =	strace s4  }
0x98: {  	_ =	strace $0x8FFFFFFF  }
0x99: {  	s19 =	sld [smem:$0x3FDB];
	_ =	sdelay $0x1  }
0x9a: {  	s5 =	simm.s32 $_scs_section_size  }
0x9b: {  	s6 =	simm.s32 $_size__tile_overlayer_lowered;
	s7 =	simm.s32 $_tile_overlayer_lowered  }
0x9c: {  	s22 =	simm.s32 $0x1BFF;
	s21 =	sshll.u32 s7, $0x1;
	s4 =	sadd.s32 s5, s19  }
0x9d: {  	s8 =	simm.s32 $0x0;
	s20 =	sshll.u32 s6, $0x1;
	s6 =	sadd.s32 s21, s4  }
0x9e: {  	[timem:s8], [sflag:s22] =	dma.local [hbm:s6], s20  }
0x9f: {  	_ =	swait.ge [sflag:s22], s20  }
0xa0: {  	s5 =	ssub.s32 $0x0, s20;
	[sflag:s22] =	ssyncset.done $0x0  }
0xa1: {  	[sflag:s22] =	ssyncadd.s32 s5;
	_ =	sdelay $0x1  }
0xa2: {  	s23 =	simm.s32 $0x1B8B  }
0xa3: {  	_ =	swait.ge [sflag:s23], $0x1  }
0xa4: {  	[sflag:s23] =	ssyncset.done $0x0  }
0xa5: {  	s25 =	simm.s32 $0x1B8E;
	s24 =	sld [smem:$0x3FFE];
	[sflag:s23] =	ssyncadd.s32 $0xFFFFFFFF  }
0xa6: {  	s26 =	simm.s32 $execute0_lowered;
	[smem:$0x3FD2] =	sst s25  }
0xa7: {  	s6 =	sshll.u32 s26, $0x1;
	_ =	strace $0x80000046;
	[dreg:$0x1] =	wrdreg $0xFFFFFFFF  }
0xa8: {  	s28 =	simm.s32 $_size_execute0_lowered;
	s4 =	sadd.s32 s4, s6;
	[dreg:$0x0] =	wrdreg $0x0  }
0xa9: {  	s6 =	sshll.u32 s28, $0x1;
	[dreg:$0x2] =	wrdreg s4  }
0xaa: {  	[dreg:$0x3] =	wrdreg s6  }
0xab: {  	[dreg:$0x4] =	wrdreg $0xC0  }
0xac: {  	_ =	task [dreg:s8], $0x5FFFF  }
0xad: {  	[dreg:$0x1] =	wrdreg $0xFFFFFFFF  }
0xae: {  	[dreg:$0x0] =	wrdreg $0x60  }
0xaf: {  	[dreg:$0x2] =	wrdreg s24  }
0xb0: {  	[dreg:$0x3] =	wrdreg s2  }
0xb1: {  	[dreg:$0x4] =	wrdreg s18  }
0xb2: {  	[dreg:$0x5] =	wrdreg $0x9  }
0xb3: {  	_ =	task.clear_ibuf [dreg:s8], $0x6FFFF;
	_ =	strace $0x90000046  }
0xb4: {  	s29 =	simm.s32 $0x9;
	_ =	strace $0x80000048  }
0xb5: {  	_ =	swait.ge [sflag:s29], $0x1  }
0xb6: {  	[sflag:s29] =	ssyncadd.s32 $0xFFFFFFFF  }
0xb7: {  	_ =	strace $0x90000048  }
0xb8: {  	_ =	sfence  }
0xb9: {  	s30 =	sld [smem:$0x0];
	_ =	sdelay $0x2  }
0xba: {  	s31 =	sshll.u32 s1, $0xD;
	s1 =	sshrl.u32 s1, $0x2  }
0xbb: {  	s3 =	sand.u32 $0x4000, s31;
	s1 =	sadd.s32 s1, s30  }
0xbc: {  	s0 =	sor.u32 s3, s0;
	s1 =	sshll.u32 s1, $0x11  }
0xbd: {  	s0 =	sor.u32 s1, s0  }
0xbe: {  	s0 =	sadd.s32 $0x8F2B, s0  }
0xbf: {  	[sflag:s0] =	ssyncadd.remote.s32 $0x1  }
0xc0: {  	_ =	sfence.sel $0xFFFF  }
0xc1: {  	[dreg:$0x0] =	wrdreg $0xFFFFFFFF;
	(pc) =	sbr.abs _section_cstart, $3  }
0xc2: {  	[dreg:$0x1] =	wrdreg $0xFFFFFFFF  }
0xc3: {  	_ =	task.clear_ibuf [dreg:s8], $0x2FFFF;
	_ =	strace $0x9FFFFFFF  }
0xc4: {  	(tm) =	ssettm $0x7FFFFFFF  }
0xc5: {  	_ =	shalt  }
tec
execute0_lowered:
.L_overlay_start_1:
0x0: {  	(tag) =	ssettag $0x1  }
0x1: {  	s4 =	rddreg [dreg:$0x0]  }
0x2: {  	s2 =	rddreg [dreg:$0x1]  }
0x3: {  	s1 =	srdreg.scid;
	s0 =	stileid.u32  }
0x4: {  	s5 =	rddreg [dreg:$0x2];
	s3 =	simm.s32 $0x0;
	s10 =	simm.s32 $0x1900  }
0x5: {  	s11 =	simm.s32 $0x2;
	s12 =	simm.s32 $0x3;
	s13 =	simm.s32 $0x3900  }
0x6: {  	s14 =	simm.s32 $0x5;
	s6 =	sand.u32 $0x1, s1;
	s7 =	sshll.u32 s0, $0x1  }
0x7: {  	s15 =	simm.s32 $0x4;
	s16 =	simm.s32 $0x0;
	s7 =	sor.u32 s6, s7  }
0x8: {  	[smem:$0x7FF] =	sst s3;
	s6 =	ssub.s32 $0x2, s6;
	s8 =	smul.u32 $0x320, s7  }
0x9: {  	s1 =	rddreg [dreg:$0x3];
	_ =	strace $0x80000047;
	s9 =	sshrl.u32 s6, $0x1  }
0xa: {  	s7 =	sshll.u32 s7, $0xB;
	s9 =	ssub.s32 s6, s9;
	s8 =	sadd.s32 s8, s4  }
0xb: {  	s4 =	sadd.s32 s5, s7;
	s7 =	smax.u32 s9, $0x1;
	s9 =	simm.s32 $0x40  }
0xc: {  	v0 =	vimm.f32 $0.0e+00;
	s5 =	sadd.s32 $0x400, s8;
	s6 =	sadd.s32 $0x400, s4;
	s8 =	simm.s32 $0x1  }
.LBB2_1:
0xd: {  	[tilespmem:s3], [sflag:$0x1] =	stream.linear.gather [hbm4b:s5+s3], $0x1900, $0x38;
	[tilespmem:$0x5900] =	vst v63  }
0xe: {  	s17 =	simm.s32 $0x0;
	s18 =	simm.s32 $0x200  }
.LBB2_2:
0xf: {  	p0 =	sne.s32 s18, $0x7E00;
	[tilespmem:s17+$0x3970] =	vst v0  }
0x10: {  	[tilespmem:s17+$0x1900] =	vst v0  }
0x11: {  	[tilespmem:s17+$0x3900] =	vst v0  }
0x12: {  	[tilespmem:s17+$0x1910] =	vst v0  }
0x13: {  	[tilespmem:s17+$0x3910] =	vst v0  }
0x14: {  	[tilespmem:s17+$0x1920] =	vst v0  }
0x15: {  	[tilespmem:s17+$0x3920] =	vst v0  }
0x16: {  	[tilespmem:s17+$0x1930] =	vst v0  }
0x17: {  	[tilespmem:s17+$0x3930] =	vst v0  }
0x18: {  	[tilespmem:s17+$0x1940] =	vst v0  }
0x19: {  	[tilespmem:s17+$0x3940] =	vst v0  }
.Ltmp0:
0x1a: {  	[tilespmem:s17+$0x1950] =	vst v0;
	(pc) =	sbr.rel @p0 .LBB2_2-.Ltmp0, $4  }
0x1b: {  	[tilespmem:s17+$0x3950] =	vst v0  }
0x1c: {  	[tilespmem:s17+$0x1960] =	vst v0  }
0x1d: {  	[tilespmem:s17+$0x3960] =	vst v0  }
0x1e: {  	[tilespmem:s17+$0x1970] =	vst v0;
	s17 =	sshra.s32 s18, $0x2;
	s18 =	sadd.s32 $0x200, s18  }
0x1f: {  	[tilespmem:s17+$0x3970] =	vst v0  }
0x20: {  	[tilespmem:s17+$0x1900] =	vst v0  }
0x21: {  	[tilespmem:s17+$0x3900] =	vst v0  }
0x22: {  	[tilespmem:s17+$0x1910] =	vst v0  }
0x23: {  	[tilespmem:s17+$0x3910] =	vst v0  }
0x24: {  	[tilespmem:s17+$0x1920] =	vst v0  }
0x25: {  	[tilespmem:s17+$0x3920] =	vst v0  }
0x26: {  	[tilespmem:s17+$0x1930] =	vst v0  }
0x27: {  	[tilespmem:s17+$0x3930] =	vst v0  }
0x28: {  	[tilespmem:s17+$0x1940] =	vst v0  }
0x29: {  	[tilespmem:s17+$0x3940] =	vst v0  }
0x2a: {  	[tilespmem:s17+$0x1950] =	vst v0  }
0x2b: {  	[tilespmem:s17+$0x3950] =	vst v0  }
0x2c: {  	[tilespmem:s17+$0x1960] =	vst v0  }
0x2d: {  	[tilespmem:s17+$0x3960] =	vst v0  }
0x2e: {  	[tilespmem:s17+$0x1970] =	vst v0  }
0x2f: {  	_ =	swait.ge [sflag:s8], $0x1900  }
0x30: {  	p0 =	por $0x1, $0x1;
	[sflag:s8] =	ssyncset.done $0x0  }
0x31: {  	s31 =	simm.s32 $0x0;
	s18 =	simm.s32 @p0 $0x40;
	[sflag:s8] =	ssyncadd.s32 $0xFFFFE700  }
0x32: {  	[tilespmem:s10], [sflag:$0x2] =	stream.indirect.gather.add.f32 [hbm:s2], $0x80, s31, s9, $0xb8;
	[tilespmem:$0x5900] =	vst v63  }
0x33: {  	s17 =	simm.s32 @!p0 $0x2;
	s19 =	simm.s32 @p0 $0x40;
	s20 =	simm.s32 @p0 $0x3900  }
0x34: {  	[tilespmem:s20], [sflag:$0x3] =	stream.indirect.gather.add.f32 @p0 [hbm:s2], $0x80, s18, s19, $0xb8;
	[tilespmem:$0x5900] =	vst v63  }
0x35: {  	_ =	swait.ge @!p0 [sflag:s17], $0x2000  }
0x36: {  	p1 =	por p0, p0;
	s18 =	simm.s32 @!p0 $0x3900;
	[sflag:s17] =	ssyncset.done @!p0 $0x0  }
0x37: {  	s19 =	simm.s32 @!p0 $0x40;
	s20 =	simm.s32 @!p0 $0x40;
	[sflag:s17] =	ssyncadd.s32 @!p0 $0xFFFFE000  }
0x38: {  	[tilespmem:s18], [sflag:$0x3] =	stream.indirect.gather.add.f32 @!p1 [hbm:s2], $0x80, s19, s20, $0xb8;
	[tilespmem:$0x5900] =	vst v63  }
0x39: {  	s19 =	simm.s32 @!p0 $0x3  }
0x3a: {  	s17 =	simm.s32 $0x1;
	s18 =	simm.s32 $0x80;
	_ =	swait.ge @!p1 [sflag:s19], $0x2000  }
.LBB2_4:
0x3b: {  	p0 =	slt.u32 s17, $0x8;
	s17 =	sadd.s32 $0x1, s17;
	[sflag:s19] =	ssyncset.done @!p1 $0x0  }
0x3c: {  	s20 =	sadd.s32 @p0 $0x40, s18;
	s21 =	simm.s32 @!p0 $0x2;
	[sflag:s19] =	ssyncadd.s32 @!p1 $0xFFFFE000  }
0x3d: {  	[tilespmem:s10], [sflag:$0x2] =	stream.indirect.gather.add.f32 [hbm:s2], $0x80, s18, s9, $0xb8;
	[tilespmem:$0x5900] =	vst v63  }
0x3e: {  	s19 =	simm.s32 @p0 $0x40;
	s22 =	simm.s32 @p0 $0x3900;
	p2 =	sne.s32 s17, $0x32  }
0x3f: {  	[tilespmem:s22], [sflag:$0x3] =	stream.indirect.gather.add.f32 @p0 [hbm:s2], $0x80, s20, s19, $0xb8;
	[tilespmem:$0x5900] =	vst v63  }
.Ltmp1:
0x40: {  	s20 =	simm.s32 @!p0 $0x3900;
	_ =	swait.ge @!p0 [sflag:s21], $0x2000;
	(pc) =	sbr.rel @p2 .LBB2_4-.Ltmp1, $4  }
0x41: {  	s23 =	simm.s32 @!p0 $0x40;
	s22 =	sadd.s32 @!p0 $0x40, s18;
	[sflag:s21] =	ssyncset.done @!p0 $0x0  }
0x42: {  	p1 =	por p0, p0;
	s19 =	simm.s32 @!p0 $0x3;
	[sflag:s21] =	ssyncadd.s32 @!p0 $0xFFFFE000  }
0x43: {  	[tilespmem:s20], [sflag:$0x3] =	stream.indirect.gather.add.f32 @!p1 [hbm:s2], $0x80, s22, s23, $0xb8;
	[tilespmem:$0x5900] =	vst v63  }
0x44: {  	s18 =	sadd.s32 $0x80, s18;
	_ =	swait.ge @!p1 [sflag:s19], $0x2000  }
0x45: {  	[sflag:s19] =	ssyncset.done @!p1 $0x0  }
0x46: {  	[sflag:s19] =	ssyncadd.s32 @!p1 $0xFFFFE000  }
0x47: {  	_ =	swait.ge [sflag:s11], $0x2000  }
0x48: {  	[sflag:s11] =	ssyncset.done $0x0  }
0x49: {  	[sflag:s11] =	ssyncadd.s32 $0xFFFFE000  }
0x4a: {  	_ =	swait.ge [sflag:s11], $0x2000  }
0x4b: {  	[sflag:s11] =	ssyncset.done $0x0  }
0x4c: {  	[sflag:s11] =	ssyncadd.s32 $0xFFFFE000  }
0x4d: {  	_ =	swait.ge [sflag:s11], $0x2000  }
0x4e: {  	[sflag:s11] =	ssyncset.done $0x0  }
0x4f: {  	[sflag:s11] =	ssyncadd.s32 $0xFFFFE000  }
0x50: {  	_ =	swait.ge [sflag:s11], $0x2000  }
0x51: {  	[sflag:s11] =	ssyncset.done $0x0  }
0x52: {  	[sflag:s11] =	ssyncadd.s32 $0xFFFFE000  }
0x53: {  	_ =	swait.ge [sflag:s11], $0x2000  }
0x54: {  	[sflag:s11] =	ssyncset.done $0x0  }
0x55: {  	[sflag:s11] =	ssyncadd.s32 $0xFFFFE000  }
0x56: {  	_ =	swait.ge [sflag:s11], $0x2000  }
0x57: {  	[sflag:s11] =	ssyncset.done $0x0  }
0x58: {  	[sflag:s11] =	ssyncadd.s32 $0xFFFFE000  }
0x59: {  	_ =	swait.ge [sflag:s11], $0x2000  }
0x5a: {  	[sflag:s11] =	ssyncset.done $0x0  }
0x5b: {  	[sflag:s11] =	ssyncadd.s32 $0xFFFFE000  }
0x5c: {  	_ =	swait.ge [sflag:s11], $0x2000  }
0x5d: {  	[sflag:s11] =	ssyncset.done $0x0  }
0x5e: {  	[sflag:s11] =	ssyncadd.s32 $0xFFFFE000  }
0x5f: {  	[hbm4b:s4+s3] =	stream.linear.scatter [tilespmem:s10], [sflag:$0x4], $0x2000, $0x38;
	[tilespmem:$0x5900] =	vst v63  }
0x60: {  	_ =	swait.ge [sflag:s12], $0x2000  }
0x61: {  	[sflag:s12] =	ssyncset.done $0x0  }
0x62: {  	[sflag:s12] =	ssyncadd.s32 $0xFFFFE000  }
0x63: {  	_ =	swait.ge [sflag:s12], $0x2000  }
0x64: {  	[sflag:s12] =	ssyncset.done $0x0  }
0x65: {  	[sflag:s12] =	ssyncadd.s32 $0xFFFFE000  }
0x66: {  	_ =	swait.ge [sflag:s12], $0x2000  }
0x67: {  	[sflag:s12] =	ssyncset.done $0x0  }
0x68: {  	[sflag:s12] =	ssyncadd.s32 $0xFFFFE000  }
0x69: {  	_ =	swait.ge [sflag:s12], $0x2000  }
0x6a: {  	[sflag:s12] =	ssyncset.done $0x0  }
0x6b: {  	[sflag:s12] =	ssyncadd.s32 $0xFFFFE000  }
0x6c: {  	_ =	swait.ge [sflag:s12], $0x2000  }
0x6d: {  	[sflag:s12] =	ssyncset.done $0x0  }
0x6e: {  	[sflag:s12] =	ssyncadd.s32 $0xFFFFE000  }
0x6f: {  	_ =	swait.ge [sflag:s12], $0x2000  }
0x70: {  	[sflag:s12] =	ssyncset.done $0x0  }
0x71: {  	[sflag:s12] =	ssyncadd.s32 $0xFFFFE000  }
0x72: {  	_ =	swait.ge [sflag:s12], $0x2000  }
0x73: {  	[sflag:s12] =	ssyncset.done $0x0  }
0x74: {  	[sflag:s12] =	ssyncadd.s32 $0xFFFFE000  }
0x75: {  	_ =	swait.ge [sflag:s12], $0x2000  }
0x76: {  	[sflag:s12] =	ssyncset.done $0x0  }
0x77: {  	s16 =	sadd.s32 $0x1, s16;
	[sflag:s12] =	ssyncadd.s32 $0xFFFFE000  }
0x78: {  	[hbm4b:s6+s3] =	stream.linear.scatter [tilespmem:s13], [sflag:$0x5], $0x2000, $0x38;
	[tilespmem:$0x5900] =	vst v63  }
0x79: {  	p0 =	sne.s32 s16, s7;
	_ =	swait.ge [sflag:s14], $0x2000  }
.Ltmp2:
0x7a: {  	[sflag:s14] =	ssyncset.done $0x0;
	(pc) =	sbr.rel @p0 .LBB2_1-.Ltmp2, $4  }
0x7b: {  	[sflag:s14] =	ssyncadd.s32 $0xFFFFE000  }
0x7c: {  	_ =	swait.ge [sflag:s15], $0x2000  }
0x7d: {  	[sflag:s15] =	ssyncset.done $0x0  }
0x7e: {  	[sflag:s15] =	ssyncadd.s32 $0xFFFFE000  }
0x7f: {  	_ =	sfence.sel $0x180000  }
0x80: {  	[bflag:$0x0] =	sbarrier.arrive $0xFFFF  }
0x81: {  	p0 =	sne.s32 s0, $0x0;
	_ =	strace $0x90000047  }
0x82: {  	s0 =	sadd.s32 @!p0 $0x100000, s1;
	[bflag:$0x2] =	sbarrier.arrive $0xFFFF  }
0x83: {  	[sflag:s0] =	ssyncadd.tile.s32 @!p0 $0x1;
	_ =	shalt  }
.Lfunc_end2:
_tile_overlayer_lowered:
.L_overlay_start_2:
0x84: {  	(tag) =	ssettag $0x2  }
0x85: {  	s0 =	rddreg [dreg:$0x0];
	s2 =	stileid.u32  }
0x86: {  	s1 =	rddreg [dreg:$0x1];
	p0 =	sne.s32 s2, $0x0  }
0x87: {  	s3 =	rddreg [dreg:$0x2];
	[bflag:$0x3] =	sbarrier.arrive $0xFFFF;
	s2 =	simm.s32 @!p0 $0x1C05  }
0x88: {  	[timem:s3], [sflag:s2] =	dma.local @!p0 [hbm:s0], s1  }
0x89: {  	s0 =	simm.s32 @!p0 $0x5  }
0x8a: {  	_ =	swait.ge @!p0 [sflag:s0], s1  }
0x8b: {  	s1 =	ssub.s32 @!p0 $0x0, s1;
	[sflag:s0] =	ssyncset.done @!p0 $0x0  }
0x8c: {  	[sflag:s0] =	ssyncadd.s32 @!p0 s1  }
0x8d: {  	[bflag:$0x3] =	sbarrier.arrive $0xFFFF  }
0x8e: {  	_ =	shalt  }

</sc_bundles>
